<compile_context>
chip_gen: v7x
topology: tpu7x:2x2x1
jax: 0.10.2.dev20260603
libtpu: 0.0.44.dev20260713+nightly
codegen_flags: <defaults>
</compile_context>

<pallas_src>
import functools

import jax
import jax.numpy as jnp
from jax import lax
from jax.experimental import pallas as pl
from jax.experimental.pallas import tpu as pltpu
from jax.experimental.pallas import tpu_sc as plsc

_NC = 2
_NS = 16
_NW = _NC * _NS


@functools.partial(jax.jit, static_argnums=(2, 3))
def _gather(src_flat, pad, B, C):
    b_per_w = B // _NW
    n_chunks = b_per_w // C
    assert n_chunks % 2 == 0 and n_chunks >= 4
    mesh = plsc.VectorSubcoreMesh(
        core_axis_name="c", subcore_axis_name="s",
        num_cores=_NC, num_subcores=_NS)

    @functools.partial(
        pl.kernel,
        out_type=jax.ShapeDtypeStruct((B, 128), jnp.float32),
        mesh=mesh,
        scratch_types=[
            pltpu.VMEM((C,), jnp.int32),
            pltpu.VMEM((C,), jnp.int32),
            pltpu.VMEM((C, 128), jnp.float32),
            pltpu.VMEM((C, 128), jnp.float32),
            pltpu.SemaphoreType.DMA,
            pltpu.SemaphoreType.DMA,
            pltpu.SemaphoreType.DMA,
            pltpu.SemaphoreType.DMA,
            pltpu.SemaphoreType.DMA,
            pltpu.SemaphoreType.DMA,
        ],
        compiler_params=pltpu.CompilerParams(use_tc_tiling_on_sc=True),
    )
    def k(src_hbm, pad_hbm, out_hbm,
          idx0, idx1, rows0, rows1,
          isem0, isem1, gsem0, gsem1, ssem0, ssem1):
        wid = lax.axis_index("s") * _NC + lax.axis_index("c")
        base = wid * b_per_w

        def step(i, idx_s, rows_s, isem_s, gsem_s, ssem_s,
                 idx_o, rows_o, isem_o, gsem_o, ssem_o):
            off = base + i * C
            pltpu.make_async_copy(pad_hbm.at[idx_s], rows_s, gsem_s).wait()
            pltpu.async_copy(rows_s, out_hbm.at[pl.ds(off, C)], ssem_s)

            @pl.when(i + 2 < n_chunks)
            def _():
                pltpu.async_copy(
                    src_hbm.at[pl.ds(off + 2 * C, C)], idx_s, isem_s)

            @pl.when(i + 1 < n_chunks)
            def _():
                pltpu.make_async_copy(
                    src_hbm.at[pl.ds(off + C, C)], idx_o, isem_o).wait()

                @pl.when(i >= 1)
                def _():
                    pltpu.make_async_copy(
                        rows_o, out_hbm.at[pl.ds(off - C, C)], ssem_o).wait()

                pltpu.async_copy(pad_hbm.at[idx_o], rows_o, gsem_o)

        pltpu.async_copy(src_hbm.at[pl.ds(base, C)], idx0, isem0)
        pltpu.async_copy(src_hbm.at[pl.ds(base + C, C)], idx1, isem1)
        pltpu.make_async_copy(src_hbm.at[pl.ds(base, C)], idx0, isem0).wait()
        pltpu.async_copy(pad_hbm.at[idx0], rows0, gsem0)

        def pair(j, carry):
            i0 = 2 * j
            step(i0, idx0, rows0, isem0, gsem0, ssem0,
                 idx1, rows1, isem1, gsem1, ssem1)
            step(i0 + 1, idx1, rows1, isem1, gsem1, ssem1,
                 idx0, rows0, isem0, gsem0, ssem0)
            return carry

        lax.fori_loop(0, n_chunks // 2, pair, 0)

        pltpu.make_async_copy(
            rows0, out_hbm.at[pl.ds(base + (n_chunks - 2) * C, C)],
            ssem0).wait()
        pltpu.make_async_copy(
            rows1, out_hbm.at[pl.ds(base + (n_chunks - 1) * C, C)],
            ssem1).wait()

    return k(src_flat, pad)


def kernel(src, table):
    B = src.shape[0] * src.shape[1]
    D = table.shape[1]
    src_flat = src.reshape(B).astype(jnp.int32)
    pad = jnp.pad(table, ((0, 0), (0, 128 - D)))
    out = _gather(src_flat, pad, B, 400)
    return out[:, :D].reshape(src.shape + (D,))

# --- scband reference (transcript-rebuilt; emitter-appended) ---
"""Pipeline reference for scband-embedder-12395275616518 (READ-ONLY COPY).

The authoritative reference and input builder live on the scoring server;
editing this copy changes nothing except your own understanding.
"""

import jax, jax.numpy as jnp
import numpy as np

VOCAB = 1000000
D_MODEL = 64

def setup_inputs(seed: int = 0) -> dict:
    key = jax.random.key(seed)
    k1, k2 = jax.random.split(key)
    src = jax.random.randint(k1, (4096, 200), 0, VOCAB, dtype=jnp.int64 if jax.config.jax_enable_x64 else jnp.int32)
    table = jax.random.normal(k2, (VOCAB, D_MODEL), dtype=jnp.float32)
    return {"src": src, "table": table}

def reference(src, table):
    # nn.Embedding forward: gather rows of the embedding table
    return jnp.take(table, src, axis=0)

if __name__ == "__main__":
    import jax
    _d = setup_inputs()
    print(jax.jit(kernel)(*tuple(_d.values())))

</pallas_src>

<mosaic_0001>
#map = affine_map<(d0, d1) -> (0)>
#map1 = affine_map<(d0, d1) -> (0, 0)>
module attributes {stable_mosaic.version = 14 : i64} {
  func.func @k(%arg0: i32, %arg1: i32, %arg2: memref<819200xi32, #tpu.memory_space<hbm>>, %arg3: memref<1000000x128xf32, #tpu.memory_space<hbm>>, %arg4: memref<819200x128xf32, #tpu.memory_space<hbm>>, %arg5: memref<400xi32, #tpu.memory_space<vmem>>, %arg6: memref<400xi32, #tpu.memory_space<vmem>>, %arg7: memref<400x128xf32, #tpu.memory_space<vmem>>, %arg8: memref<400x128xf32, #tpu.memory_space<vmem>>, %arg9: memref<!tpu.dma_semaphore, #tpu.memory_space<semaphore_mem>>, %arg10: memref<!tpu.dma_semaphore, #tpu.memory_space<semaphore_mem>>, %arg11: memref<!tpu.dma_semaphore, #tpu.memory_space<semaphore_mem>>, %arg12: memref<!tpu.dma_semaphore, #tpu.memory_space<semaphore_mem>>, %arg13: memref<!tpu.dma_semaphore, #tpu.memory_space<semaphore_mem>>, %arg14: memref<!tpu.dma_semaphore, #tpu.memory_space<semaphore_mem>>) attributes {dimension_semantics = [#tpu.dimension_semantics<core_parallel>, #tpu.dimension_semantics<subcore_parallel>], iteration_bounds = array<i64: 2, 16>, scalar_prefetch = 0 : i64, scratch_operands = 10 : i64, tpu.core_type = #tpu.core_type<sc_vector_subcore>, window_params = [{transform_indices = #map}, {transform_indices = #map1}, {transform_indices = #map1}]} {
    %mul3A = arith.constant 2 : i32
    %mul3A_0 = arith.muli %arg1, %mul3A : i32
    %add3A = arith.addi %mul3A_0, %arg0 : i32
    %mul3A_1 = arith.constant 25600 : i32
    %mul3A_2 = arith.muli %add3A, %mul3A_1 : i32
    %dma_start3A = tpu.memref_slice %arg2[%mul3A_2] : memref<819200xi32, #tpu.memory_space<hbm>> -> memref<400xi32, #tpu.memory_space<hbm>>
    %dma_start3A_3 = tpu.memref_slice %arg2[%mul3A_2] : memref<819200xi32, #tpu.memory_space<hbm>> -> memref<400xi32, #tpu.memory_space<hbm>>
    tpu.enqueue_dma source(%dma_start3A_3 : memref<400xi32, #tpu.memory_space<hbm>>) target(%arg5 : memref<400xi32, #tpu.memory_space<vmem>>) target_semaphore(%arg9 : memref<!tpu.dma_semaphore, #tpu.memory_space<semaphore_mem>>)
    %add3A_4 = arith.constant 400 : i32
    %add3A_5 = arith.addi %mul3A_2, %add3A_4 : i32
    %dma_start3A_6 = tpu.memref_slice %arg2[%add3A_5] : memref<819200xi32, #tpu.memory_space<hbm>> -> memref<400xi32, #tpu.memory_space<hbm>>
    %dma_start3A_7 = tpu.memref_slice %arg2[%add3A_5] : memref<819200xi32, #tpu.memory_space<hbm>> -> memref<400xi32, #tpu.memory_space<hbm>>
    tpu.enqueue_dma source(%dma_start3A_7 : memref<400xi32, #tpu.memory_space<hbm>>) target(%arg6 : memref<400xi32, #tpu.memory_space<vmem>>) target_semaphore(%arg10 : memref<!tpu.dma_semaphore, #tpu.memory_space<semaphore_mem>>)
    %dma_wait3A = tpu.memref_slice %arg2[%mul3A_2] : memref<819200xi32, #tpu.memory_space<hbm>> -> memref<400xi32, #tpu.memory_space<hbm>>
    %dma_wait3A_8 = tpu.memref_slice %arg2[%mul3A_2] : memref<819200xi32, #tpu.memory_space<hbm>> -> memref<400xi32, #tpu.memory_space<hbm>>
    tpu.wait_dma2 semaphore(%arg9 : memref<!tpu.dma_semaphore, #tpu.memory_space<semaphore_mem>>) src(%dma_wait3A_8 : memref<400xi32, #tpu.memory_space<hbm>>) dst(%arg5 : memref<400xi32, #tpu.memory_space<vmem>>)
    %dma_start3A_9 = arith.constant 0 : i32
    %dma_start3A_10 = arith.constant 0 : i32
    %dma_start3A_11 = tpu.memref_slice %arg3[%dma_start3A_9, %dma_start3A_10] : memref<1000000x128xf32, #tpu.memory_space<hbm>> -> memref<1000000x128xf32, #tpu.memory_space<hbm>>
    tpu.enqueue_indirect_dma source(%dma_start3A_11 : memref<1000000x128xf32, #tpu.memory_space<hbm>>) target(%arg7 : memref<400x128xf32, #tpu.memory_space<vmem>>) offsets(%arg5 : memref<400xi32, #tpu.memory_space<vmem>>) semaphore(%arg11 : memref<!tpu.dma_semaphore, #tpu.memory_space<semaphore_mem>>)
    %scan3A = arith.constant 0 : i32
    %scan3A_12 = arith.constant 0 : i32
    %scan3A_13 = arith.constant 32 : i32
    %scan3A_14 = arith.addi %scan3A_12, %scan3A_13 : i32
    %scan3A_15 = arith.constant 1 : i32
    scf.for %scan3A_29 = %scan3A_12 to %scan3A_14 step %scan3A_15  : i32 {
      %mul3A_30 = arith.constant 2 : i32
      %mul3A_31 = arith.muli %mul3A_30, %scan3A_29 : i32
      %mul3A_32 = arith.constant 400 : i32
      %mul3A_33 = arith.muli %mul3A_31, %mul3A_32 : i32
      %add3A_34 = arith.addi %mul3A_2, %mul3A_33 : i32
      %dma_wait3A_35 = arith.constant 0 : i32
      %dma_wait3A_36 = arith.constant 0 : i32
      %dma_wait3A_37 = tpu.memref_slice %arg3[%dma_wait3A_35, %dma_wait3A_36] : memref<1000000x128xf32, #tpu.memory_space<hbm>> -> memref<1000000x128xf32, #tpu.memory_space<hbm>>
      tpu.wait_indirect_dma semaphore(%arg11 : memref<!tpu.dma_semaphore, #tpu.memory_space<semaphore_mem>>) src(%dma_wait3A_37 : memref<1000000x128xf32, #tpu.memory_space<hbm>>) dst(%arg7 : memref<400x128xf32, #tpu.memory_space<vmem>>)
      %dma_start3A_38 = arith.constant 0 : i32
      %dma_start3A_39 = tpu.memref_slice %arg4[%add3A_34, %dma_start3A_38] : memref<819200x128xf32, #tpu.memory_space<hbm>> -> memref<400x128xf32, #tpu.memory_space<hbm>>
      %dma_start3A_40 = arith.constant 0 : i32
      %dma_start3A_41 = tpu.memref_slice %arg4[%add3A_34, %dma_start3A_40] : memref<819200x128xf32, #tpu.memory_space<hbm>> -> memref<400x128xf32, #tpu.memory_space<hbm>>
      tpu.enqueue_dma source(%arg7 : memref<400x128xf32, #tpu.memory_space<vmem>>) target(%dma_start3A_41 : memref<400x128xf32, #tpu.memory_space<hbm>>) target_semaphore(%arg13 : memref<!tpu.dma_semaphore, #tpu.memory_space<semaphore_mem>>)
      %add3A_42 = arith.constant 2 : i32
      %add3A_43 = arith.addi %mul3A_31, %add3A_42 : i32
      %lt3A = arith.constant 64 : i32
      %lt3A_44 = arith.cmpi slt, %add3A_43, %lt3A : i32
      %convert_element_type3A = arith.extui %lt3A_44 : i1 to i32
      %cond3A = arith.constant 0 : i32
      %cond3A_45 = arith.cmpi ne, %convert_element_type3A, %cond3A : i32
      scf.if %cond3A_45 {
        %add3A_79 = arith.constant 800 : i32
        %add3A_80 = arith.addi %add3A_34, %add3A_79 : i32
        %dma_start3A_81 = tpu.memref_slice %arg2[%add3A_80] : memref<819200xi32, #tpu.memory_space<hbm>> -> memref<400xi32, #tpu.memory_space<hbm>>
        %dma_start3A_82 = tpu.memref_slice %arg2[%add3A_80] : memref<819200xi32, #tpu.memory_space<hbm>> -> memref<400xi32, #tpu.memory_space<hbm>>
        tpu.enqueue_dma source(%dma_start3A_82 : memref<400xi32, #tpu.memory_space<hbm>>) target(%arg5 : memref<400xi32, #tpu.memory_space<vmem>>) target_semaphore(%arg9 : memref<!tpu.dma_semaphore, #tpu.memory_space<semaphore_mem>>)
      } else {
      }
      %add3A_46 = arith.constant 1 : i32
      %add3A_47 = arith.addi %mul3A_31, %add3A_46 : i32
      %lt3A_48 = arith.constant 64 : i32
      %lt3A_49 = arith.cmpi slt, %add3A_47, %lt3A_48 : i32
      %convert_element_type3A_50 = arith.extui %lt3A_49 : i1 to i32
      %cond3A_51 = arith.constant 0 : i32
      %cond3A_52 = arith.cmpi ne, %convert_element_type3A_50, %cond3A_51 : i32
      scf.if %cond3A_52 {
        %add3A_79 = arith.constant 400 : i32
        %add3A_80 = arith.addi %add3A_34, %add3A_79 : i32
        %dma_wait3A_81 = tpu.memref_slice %arg2[%add3A_80] : memref<819200xi32, #tpu.memory_space<hbm>> -> memref<400xi32, #tpu.memory_space<hbm>>
        %dma_wait3A_82 = tpu.memref_slice %arg2[%add3A_80] : memref<819200xi32, #tpu.memory_space<hbm>> -> memref<400xi32, #tpu.memory_space<hbm>>
        tpu.wait_dma2 semaphore(%arg10 : memref<!tpu.dma_semaphore, #tpu.memory_space<semaphore_mem>>) src(%dma_wait3A_82 : memref<400xi32, #tpu.memory_space<hbm>>) dst(%arg6 : memref<400xi32, #tpu.memory_space<vmem>>)
        %ge3A = arith.constant 1 : i32
        %ge3A_83 = arith.cmpi sge, %mul3A_31, %ge3A : i32
        %convert_element_type3A_84 = arith.extui %ge3A_83 : i1 to i32
        %cond3A_85 = arith.constant 0 : i32
        %cond3A_86 = arith.cmpi ne, %convert_element_type3A_84, %cond3A_85 : i32
        scf.if %cond3A_86 {
          %sub3A = arith.constant 400 : i32
          %sub3A_90 = arith.subi %add3A_34, %sub3A : i32
          %dma_wait3A_91 = arith.constant 0 : i32
          %dma_wait3A_92 = tpu.memref_slice %arg4[%sub3A_90, %dma_wait3A_91] : memref<819200x128xf32, #tpu.memory_space<hbm>> -> memref<400x128xf32, #tpu.memory_space<hbm>>
          %dma_wait3A_93 = arith.constant 0 : i32
          %dma_wait3A_94 = tpu.memref_slice %arg4[%sub3A_90, %dma_wait3A_93] : memref<819200x128xf32, #tpu.memory_space<hbm>> -> memref<400x128xf32, #tpu.memory_space<hbm>>
          tpu.wait_dma2 semaphore(%arg14 : memref<!tpu.dma_semaphore, #tpu.memory_space<semaphore_mem>>) src(%arg8 : memref<400x128xf32, #tpu.memory_space<vmem>>) dst(%dma_wait3A_94 : memref<400x128xf32, #tpu.memory_space<hbm>>)
        } else {
        }
        %dma_start3A_87 = arith.constant 0 : i32
        %dma_start3A_88 = arith.constant 0 : i32
        %dma_start3A_89 = tpu.memref_slice %arg3[%dma_start3A_87, %dma_start3A_88] : memref<1000000x128xf32, #tpu.memory_space<hbm>> -> memref<1000000x128xf32, #tpu.memory_space<hbm>>
        tpu.enqueue_indirect_dma source(%dma_start3A_89 : memref<1000000x128xf32, #tpu.memory_space<hbm>>) target(%arg8 : memref<400x128xf32, #tpu.memory_space<vmem>>) offsets(%arg6 : memref<400xi32, #tpu.memory_space<vmem>>) semaphore(%arg12 : memref<!tpu.dma_semaphore, #tpu.memory_space<semaphore_mem>>)
      } else {
      }
      %add3A_53 = arith.constant 1 : i32
      %add3A_54 = arith.addi %mul3A_31, %add3A_53 : i32
      %mul3A_55 = arith.constant 400 : i32
      %mul3A_56 = arith.muli %add3A_54, %mul3A_55 : i32
      %add3A_57 = arith.addi %mul3A_2, %mul3A_56 : i32
      %dma_wait3A_58 = arith.constant 0 : i32
      %dma_wait3A_59 = arith.constant 0 : i32
      %dma_wait3A_60 = tpu.memref_slice %arg3[%dma_wait3A_58, %dma_wait3A_59] : memref<1000000x128xf32, #tpu.memory_space<hbm>> -> memref<1000000x128xf32, #tpu.memory_space<hbm>>
      tpu.wait_indirect_dma semaphore(%arg12 : memref<!tpu.dma_semaphore, #tpu.memory_space<semaphore_mem>>) src(%dma_wait3A_60 : memref<1000000x128xf32, #tpu.memory_space<hbm>>) dst(%arg8 : memref<400x128xf32, #tpu.memory_space<vmem>>)
      %dma_start3A_61 = arith.constant 0 : i32
      %dma_start3A_62 = tpu.memref_slice %arg4[%add3A_57, %dma_start3A_61] : memref<819200x128xf32, #tpu.memory_space<hbm>> -> memref<400x128xf32, #tpu.memory_space<hbm>>
      %dma_start3A_63 = arith.constant 0 : i32
      %dma_start3A_64 = tpu.memref_slice %arg4[%add3A_57, %dma_start3A_63] : memref<819200x128xf32, #tpu.memory_space<hbm>> -> memref<400x128xf32, #tpu.memory_space<hbm>>
      tpu.enqueue_dma source(%arg8 : memref<400x128xf32, #tpu.memory_space<vmem>>) target(%dma_start3A_64 : memref<400x128xf32, #tpu.memory_space<hbm>>) target_semaphore(%arg14 : memref<!tpu.dma_semaphore, #tpu.memory_space<semaphore_mem>>)
      %add3A_65 = arith.constant 2 : i32
      %add3A_66 = arith.addi %add3A_54, %add3A_65 : i32
      %lt3A_67 = arith.constant 64 : i32
      %lt3A_68 = arith.cmpi slt, %add3A_66, %lt3A_67 : i32
      %convert_element_type3A_69 = arith.extui %lt3A_68 : i1 to i32
      %cond3A_70 = arith.constant 0 : i32
      %cond3A_71 = arith.cmpi ne, %convert_element_type3A_69, %cond3A_70 : i32
      scf.if %cond3A_71 {
        %add3A_79 = arith.constant 800 : i32
        %add3A_80 = arith.addi %add3A_57, %add3A_79 : i32
        %dma_start3A_81 = tpu.memref_slice %arg2[%add3A_80] : memref<819200xi32, #tpu.memory_space<hbm>> -> memref<400xi32, #tpu.memory_space<hbm>>
        %dma_start3A_82 = tpu.memref_slice %arg2[%add3A_80] : memref<819200xi32, #tpu.memory_space<hbm>> -> memref<400xi32, #tpu.memory_space<hbm>>
        tpu.enqueue_dma source(%dma_start3A_82 : memref<400xi32, #tpu.memory_space<hbm>>) target(%arg6 : memref<400xi32, #tpu.memory_space<vmem>>) target_semaphore(%arg10 : memref<!tpu.dma_semaphore, #tpu.memory_space<semaphore_mem>>)
      } else {
      }
      %add3A_72 = arith.constant 1 : i32
      %add3A_73 = arith.addi %add3A_54, %add3A_72 : i32
      %lt3A_74 = arith.constant 64 : i32
      %lt3A_75 = arith.cmpi slt, %add3A_73, %lt3A_74 : i32
      %convert_element_type3A_76 = arith.extui %lt3A_75 : i1 to i32
      %cond3A_77 = arith.constant 0 : i32
      %cond3A_78 = arith.cmpi ne, %convert_element_type3A_76, %cond3A_77 : i32
      scf.if %cond3A_78 {
        %add3A_79 = arith.constant 400 : i32
        %add3A_80 = arith.addi %add3A_57, %add3A_79 : i32
        %dma_wait3A_81 = tpu.memref_slice %arg2[%add3A_80] : memref<819200xi32, #tpu.memory_space<hbm>> -> memref<400xi32, #tpu.memory_space<hbm>>
        %dma_wait3A_82 = tpu.memref_slice %arg2[%add3A_80] : memref<819200xi32, #tpu.memory_space<hbm>> -> memref<400xi32, #tpu.memory_space<hbm>>
        tpu.wait_dma2 semaphore(%arg9 : memref<!tpu.dma_semaphore, #tpu.memory_space<semaphore_mem>>) src(%dma_wait3A_82 : memref<400xi32, #tpu.memory_space<hbm>>) dst(%arg5 : memref<400xi32, #tpu.memory_space<vmem>>)
        %ge3A = arith.constant 1 : i32
        %ge3A_83 = arith.cmpi sge, %add3A_54, %ge3A : i32
        %convert_element_type3A_84 = arith.extui %ge3A_83 : i1 to i32
        %cond3A_85 = arith.constant 0 : i32
        %cond3A_86 = arith.cmpi ne, %convert_element_type3A_84, %cond3A_85 : i32
        scf.if %cond3A_86 {
          %sub3A = arith.constant 400 : i32
          %sub3A_90 = arith.subi %add3A_57, %sub3A : i32
          %dma_wait3A_91 = arith.constant 0 : i32
          %dma_wait3A_92 = tpu.memref_slice %arg4[%sub3A_90, %dma_wait3A_91] : memref<819200x128xf32, #tpu.memory_space<hbm>> -> memref<400x128xf32, #tpu.memory_space<hbm>>
          %dma_wait3A_93 = arith.constant 0 : i32
          %dma_wait3A_94 = tpu.memref_slice %arg4[%sub3A_90, %dma_wait3A_93] : memref<819200x128xf32, #tpu.memory_space<hbm>> -> memref<400x128xf32, #tpu.memory_space<hbm>>
          tpu.wait_dma2 semaphore(%arg13 : memref<!tpu.dma_semaphore, #tpu.memory_space<semaphore_mem>>) src(%arg7 : memref<400x128xf32, #tpu.memory_space<vmem>>) dst(%dma_wait3A_94 : memref<400x128xf32, #tpu.memory_space<hbm>>)
        } else {
        }
        %dma_start3A_87 = arith.constant 0 : i32
        %dma_start3A_88 = arith.constant 0 : i32
        %dma_start3A_89 = tpu.memref_slice %arg3[%dma_start3A_87, %dma_start3A_88] : memref<1000000x128xf32, #tpu.memory_space<hbm>> -> memref<1000000x128xf32, #tpu.memory_space<hbm>>
        tpu.enqueue_indirect_dma source(%dma_start3A_89 : memref<1000000x128xf32, #tpu.memory_space<hbm>>) target(%arg7 : memref<400x128xf32, #tpu.memory_space<vmem>>) offsets(%arg5 : memref<400xi32, #tpu.memory_space<vmem>>) semaphore(%arg11 : memref<!tpu.dma_semaphore, #tpu.memory_space<semaphore_mem>>)
      } else {
      }
    }
    %scan3A_16 = arith.constant 32 : i32
    %add3A_17 = arith.constant 24800 : i32
    %add3A_18 = arith.addi %mul3A_2, %add3A_17 : i32
    %dma_wait3A_19 = arith.constant 0 : i32
    %dma_wait3A_20 = tpu.memref_slice %arg4[%add3A_18, %dma_wait3A_19] : memref<819200x128xf32, #tpu.memory_space<hbm>> -> memref<400x128xf32, #tpu.memory_space<hbm>>
    %dma_wait3A_21 = arith.constant 0 : i32
    %dma_wait3A_22 = tpu.memref_slice %arg4[%add3A_18, %dma_wait3A_21] : memref<819200x128xf32, #tpu.memory_space<hbm>> -> memref<400x128xf32, #tpu.memory_space<hbm>>
    tpu.wait_dma2 semaphore(%arg13 : memref<!tpu.dma_semaphore, #tpu.memory_space<semaphore_mem>>) src(%arg7 : memref<400x128xf32, #tpu.memory_space<vmem>>) dst(%dma_wait3A_22 : memref<400x128xf32, #tpu.memory_space<hbm>>)
    %add3A_23 = arith.constant 25200 : i32
    %add3A_24 = arith.addi %mul3A_2, %add3A_23 : i32
    %dma_wait3A_25 = arith.constant 0 : i32
    %dma_wait3A_26 = tpu.memref_slice %arg4[%add3A_24, %dma_wait3A_25] : memref<819200x128xf32, #tpu.memory_space<hbm>> -> memref<400x128xf32, #tpu.memory_space<hbm>>
    %dma_wait3A_27 = arith.constant 0 : i32
    %dma_wait3A_28 = tpu.memref_slice %arg4[%add3A_24, %dma_wait3A_27] : memref<819200x128xf32, #tpu.memory_space<hbm>> -> memref<400x128xf32, #tpu.memory_space<hbm>>
    tpu.wait_dma2 semaphore(%arg14 : memref<!tpu.dma_semaphore, #tpu.memory_space<semaphore_mem>>) src(%arg8 : memref<400x128xf32, #tpu.memory_space<vmem>>) dst(%dma_wait3A_28 : memref<400x128xf32, #tpu.memory_space<hbm>>)
    return
  }
}

</mosaic_0001>

<sc_bundles>
// kernel: _gather.3.cloned.1.call-start
scs
__scs_entry_jumppad:
0x0: {  	(pc) =	sbr.rel $0x88, $3  }
0x1: {  	(tag) =	ssettag $0x0;
	lr =	simm.s32 $0x1  }
0x2: {  	[smem:$0x3F9F] =	sst lr;
	_ =	strace $0xD0000000  }
0x3: {  	_ = 	snop  }
0x4: {  	_ = 	snop  }
0x5: {  	_ = 	snop  }
0x6: {  	_ = 	snop  }
0x7: {  	_ = 	snop  }
__scs_overlays_trampoline_lowered:
0x8: {  	[smem:$0x3FAE] =	sst s0  }
0x9: {  	[smem:$0x3FAF] =	sst s1  }
0xa: {  	[smem:$0x3FB0] =	sst s2  }
0xb: {  	[smem:$0x3FB1] =	sst s3  }
0xc: {  	[smem:$0x3FB2] =	sst s4  }
0xd: {  	[smem:$0x3FB3] =	sst s5  }
0xe: {  	[smem:$0x3FB4] =	sst s6  }
0xf: {  	[smem:$0x3FB5] =	sst s7  }
0x10: {  	[smem:$0x3FB6] =	sst s8  }
0x11: {  	[smem:$0x3FB7] =	sst s9;
	s0 =	simm.s32 @!p0 $0x0  }
0x12: {  	s1 =	sld [smem:$0x3F9D];
	s0 =	simm.s32 @p0 $0x1  }
0x13: {  	[smem:$0x3FB8] =	sst s0;
	s0 =	simm.s32 @!p1 $0x0  }
0x14: {  	s2 =	sld [smem:$0x3F9C];
	s0 =	simm.s32 @p1 $0x1  }
0x15: {  	[smem:$0x3FB9] =	sst s0;
	s0 =	simm.s32 @!p2 $0x0  }
0x16: {  	s3 =	sld [smem:$0x3FDB];
	s0 =	simm.s32 @p2 $0x1  }
0x17: {  	s4 =	simm.s32 $0x1BF5;
	[smem:$0x3FBB] =	sst s0  }
0x18: {  	s0 =	sld [smem:$0x3F9E];
	_ =	swait.ge [sflag:s4], $0x0  }
0x19: {  	s7 =	sld [smem:$0x3F9F]  }
0x1a: {  	s8 =	sadd.s32 $0xFFFFE003, lr  }
0x1b: {  	s9 =	sadd.s32 $0xFFFFFEF7, lr;
	s5 =	simm.s32 $0xFFFFFFFF;
	p2 =	slt.u32 s8, $0xFFFFF086  }
0x1c: {  	p1 =	slt.u32 s9, $0xF7A;
	s5 =	simm.s32 @!p2 $0x0  }
0x1d: {  	s5 =	simm.s32 @p1 $0x1;
	p0 =	seq.s32 s7, s2  }
0x1e: {  	s7 =	smul.u32 @!p0 $0xF7A, s2;
	p2 =	seq.s32 @!p0 s5, $0x0  }
0x1f: {  	s9 =	smul.u32 $0xF7A, s1;
	s8 =	simm.s32 @!p0 $0x1BF5;
	p2 =	por !p2, p0  }
0x20: {  	[sflag:s8] =	ssyncset.s32 @!p0 $0xFFFFF086;
	s6 =	sadd.s32 @!p0 s3, s7;
	s7 =	simm.s32 @!p0 $0x108  }
0x21: {  	s3 =	sadd.s32 s3, s9;
	s6 =	sadd.s32 @!p0 $0x88, s6;
	s7 =	simm.s32 @p2 $0x1082  }
0x22: {  	[simem:s7], [sflag:s8] =	dma.local @!p0 [hbm:s6], $0xF7A  }
0x23: {  	s9 =	sor.u32 $0xD0000000, s2;
	s6 =	simm.s32 $0x108;
	_ =	swait.ge @!p0 [sflag:s8], $0x0  }
0x24: {  	s3 =	sadd.s32 $0x88, s3;
	s6 =	simm.s32 @!p1 $0x1082;
	[sflag:s4] =	ssyncset.s32 $0xFFFFF086  }
0x25: {  	[simem:s6], [sflag:s4] =	dma.local [hbm:s3], $0xF7A  }
0x26: {  	[smem:$0x3F9F] =	sst s1;
	(tag) =	ssettag s2;
	_ =	strace s9  }
0x27: {  	s1 =	sld [smem:$0x3FAF]  }
0x28: {  	s2 =	sld [smem:$0x3FB0]  }
0x29: {  	s4 =	sld [smem:$0x3FB2]  }
0x2a: {  	p0 =	seq.s32 s5, $0x0;
	s5 =	sld [smem:$0x3FB3]  }
0x2b: {  	s6 =	sld [smem:$0x3FB4]  }
0x2c: {  	s7 =	sld [smem:$0x3FB5]  }
0x2d: {  	s3 =	simm.s32 $0x108;
	s8 =	sld [smem:$0x3FB6]  }
0x2e: {  	s3 =	simm.s32 @!p0 $0x1082;
	s9 =	sld [smem:$0x3FB7]  }
0x2f: {  	lr =	sadd.s32 s0, s3;
	s0 =	sld [smem:$0x3FAE]  }
0x30: {  	s3 =	sld [smem:$0x3FB1]  }
0x31: {  	[smem:$0x3FBA] =	sst s10  }
0x32: {  	s10 =	sld [smem:$0x3FB8];
	_ =	sdelay $0x3  }
0x33: {  	p0 =	seq.s32 s10, $0x1;
	s10 =	sld [smem:$0x3FBA];
	_ =	sdelay $0x3  }
0x34: {  	[smem:$0x3FBA] =	sst s10  }
0x35: {  	s10 =	sld [smem:$0x3FB9];
	_ =	sdelay $0x3  }
0x36: {  	p1 =	seq.s32 s10, $0x1;
	s10 =	sld [smem:$0x3FBA];
	_ =	sdelay $0x3  }
0x37: {  	[smem:$0x3FBA] =	sst s10  }
0x38: {  	s10 =	sld [smem:$0x3FBB]  }
0x39: {  	_ = 	snop;
	(pc) =	sbr.ind lr, $3  }
0x3a: {  	_ = 	snop  }
0x3b: {  	_ = 	snop  }
0x3c: {  	p2 =	seq.s32 s10, $0x1;
	s10 =	sld [smem:$0x3FBA]  }
0x3d: {  	_ =	shalt  }
0x3e: {  	_ =	shalt  }
0x3f: {  	_ =	shalt  }
0x40: {  	_ =	shalt  }
0x41: {  	_ =	shalt  }
0x42: {  	_ =	shalt  }
0x43: {  	_ =	shalt  }
0x44: {  	_ =	shalt  }
0x45: {  	_ =	shalt  }
0x46: {  	_ =	shalt  }
0x47: {  	_ =	shalt  }
0x48: {  	_ =	shalt  }
0x49: {  	_ =	shalt  }
0x4a: {  	_ =	shalt  }
0x4b: {  	_ =	shalt  }
0x4c: {  	_ =	shalt  }
0x4d: {  	_ =	shalt  }
0x4e: {  	_ =	shalt  }
0x4f: {  	_ =	shalt  }
0x50: {  	_ =	shalt  }
0x51: {  	_ =	shalt  }
0x52: {  	_ =	shalt  }
0x53: {  	_ =	shalt  }
0x54: {  	_ =	shalt  }
0x55: {  	_ =	shalt  }
0x56: {  	_ =	shalt  }
0x57: {  	_ =	shalt  }
0x58: {  	_ =	shalt  }
0x59: {  	_ =	shalt  }
0x5a: {  	_ =	shalt  }
0x5b: {  	_ =	shalt  }
0x5c: {  	_ =	shalt  }
0x5d: {  	_ =	shalt  }
0x5e: {  	_ =	shalt  }
0x5f: {  	_ =	shalt  }
0x60: {  	_ =	shalt  }
0x61: {  	_ =	shalt  }
0x62: {  	_ =	shalt  }
0x63: {  	_ =	shalt  }
0x64: {  	_ =	shalt  }
0x65: {  	_ =	shalt  }
0x66: {  	_ =	shalt  }
0x67: {  	_ =	shalt  }
0x68: {  	_ =	shalt  }
0x69: {  	_ =	shalt  }
0x6a: {  	_ =	shalt  }
0x6b: {  	_ =	shalt  }
0x6c: {  	_ =	shalt  }
0x6d: {  	_ =	shalt  }
0x6e: {  	_ =	shalt  }
0x6f: {  	_ =	shalt  }
0x70: {  	_ =	shalt  }
0x71: {  	_ =	shalt  }
0x72: {  	_ =	shalt  }
0x73: {  	_ =	shalt  }
0x74: {  	_ =	shalt  }
0x75: {  	_ =	shalt  }
0x76: {  	_ =	shalt  }
0x77: {  	_ =	shalt  }
0x78: {  	_ =	shalt  }
0x79: {  	_ =	shalt  }
0x7a: {  	_ =	shalt  }
0x7b: {  	_ =	shalt  }
0x7c: {  	_ =	shalt  }
0x7d: {  	_ =	shalt  }
0x7e: {  	_ =	shalt  }
0x7f: {  	_ =	shalt  }
0x80: {  	_ =	shalt  }
0x81: {  	_ =	shalt  }
0x82: {  	_ =	shalt  }
0x83: {  	_ =	shalt  }
0x84: {  	_ =	shalt  }
0x85: {  	_ =	shalt  }
0x86: {  	_ =	shalt  }
0x87: {  	_ =	shalt  }
.Lfunc_end0:
.L_simem_size_0:
called_computation_lowered:
.L_overlay_start_0:
0x88: {  	s2 =	sld [smem:$0x3FD9]  }
0x89: {  	s3 =	sld [smem:$0x3FFE];
	_ =	sdelay $0x1  }
0x8a: {  	s1 =	srdreg.scid  }
0x8b: {  	s0 =	sand.u32 $0x1, s1  }
0x8c: {  	s18 =	sshll.u32 s0, $0xA;
	s2 =	sadd.s32 s3, s2  }
0x8d: {  	s2 =	sadd.s32 s2, s18  }
0x8e: {  	[smem:$0x3FC6] =	sst s2  }
0x8f: {  	_ = 	snop  }
0x90: {  	s2 =	sld [smem:$0x3FC9]  }
0x91: {  	s19 =	sld [smem:$0x3FC8]  }
0x92: {  	s4 =	sld [smem:$0x3FD0];
	(tm) =	ssettm $0x1  }
0x93: {  	s5 =	sld [smem:$0x3FFB];
	_ =	sdelay $0x3  }
0x94: {  	_ =	strace s5  }
0x95: {  	s5 =	sld [smem:$0x3FFC];
	_ =	sdelay $0x3  }
0x96: {  	_ =	strace s5  }
0x97: {  	s5 =	sld [smem:$0x3FFD];
	_ =	sdelay $0x3  }
0x98: {  	_ =	strace s5  }
0x99: {  	_ =	strace $0x8FFFFFFF  }
0x9a: {  	s20 =	sld [smem:$0x3FDB];
	_ =	sdelay $0x1  }
0x9b: {  	s6 =	simm.s32 $_scs_section_size  }
0x9c: {  	s7 =	simm.s32 $_size__tile_overlayer_lowered;
	s8 =	simm.s32 $_tile_overlayer_lowered  }
0x9d: {  	s23 =	simm.s32 $0x1BFF;
	s22 =	sshll.u32 s8, $0x1;
	s5 =	sadd.s32 s6, s20  }
0x9e: {  	s9 =	simm.s32 $0x0;
	s21 =	sshll.u32 s7, $0x1;
	s7 =	sadd.s32 s22, s5  }
0x9f: {  	[timem:s9], [sflag:s23] =	dma.local [hbm:s7], s21  }
0xa0: {  	_ =	swait.ge [sflag:s23], s21  }
0xa1: {  	s6 =	ssub.s32 $0x0, s21;
	[sflag:s23] =	ssyncset.done $0x0  }
0xa2: {  	[sflag:s23] =	ssyncadd.s32 s6;
	_ =	sdelay $0x1  }
0xa3: {  	s24 =	simm.s32 $0x1B8B  }
0xa4: {  	_ =	swait.ge [sflag:s24], $0x1  }
0xa5: {  	[sflag:s24] =	ssyncset.done $0x0  }
0xa6: {  	s25 =	simm.s32 $0x1B8E;
	[sflag:s24] =	ssyncadd.s32 $0xFFFFFFFF  }
0xa7: {  	s26 =	simm.s32 $execute0_lowered;
	[smem:$0x3FD2] =	sst s25  }
0xa8: {  	s6 =	sshll.u32 s26, $0x1;
	_ =	strace $0x80000046;
	[dreg:$0x1] =	wrdreg $0xFFFFFFFF  }
0xa9: {  	s28 =	simm.s32 $_size_execute0_lowered;
	s5 =	sadd.s32 s5, s6;
	[dreg:$0x0] =	wrdreg $0x0  }
0xaa: {  	s6 =	sshll.u32 s28, $0x1;
	[dreg:$0x2] =	wrdreg s5  }
0xab: {  	[dreg:$0x3] =	wrdreg s6  }
0xac: {  	[dreg:$0x4] =	wrdreg $0xC0  }
0xad: {  	_ =	task [dreg:s9], $0x5FFFF  }
0xae: {  	[dreg:$0x1] =	wrdreg $0xFFFFFFFF  }
0xaf: {  	[dreg:$0x0] =	wrdreg $0x60  }
0xb0: {  	[dreg:$0x2] =	wrdreg s2  }
0xb1: {  	[dreg:$0x3] =	wrdreg s19  }
0xb2: {  	[dreg:$0x4] =	wrdreg s4  }
0xb3: {  	[dreg:$0x5] =	wrdreg $0x9  }
0xb4: {  	_ =	task.clear_ibuf [dreg:s9], $0x6FFFF;
	_ =	strace $0x90000046  }
0xb5: {  	s29 =	simm.s32 $0x9;
	_ =	strace $0x80000048  }
0xb6: {  	_ =	swait.ge [sflag:s29], $0x1  }
0xb7: {  	[sflag:s29] =	ssyncadd.s32 $0xFFFFFFFF  }
0xb8: {  	_ =	strace $0x90000048  }
0xb9: {  	_ =	sfence  }
0xba: {  	s30 =	sld [smem:$0x0];
	_ =	sdelay $0x2  }
0xbb: {  	s31 =	sshll.u32 s1, $0xD;
	s1 =	sshrl.u32 s1, $0x2  }
0xbc: {  	s3 =	sand.u32 $0x4000, s31;
	s1 =	sadd.s32 s1, s30  }
0xbd: {  	s0 =	sor.u32 s3, s0;
	s1 =	sshll.u32 s1, $0x11  }
0xbe: {  	s0 =	sor.u32 s1, s0  }
0xbf: {  	s0 =	sadd.s32 $0x8F2B, s0  }
0xc0: {  	[sflag:s0] =	ssyncadd.remote.s32 $0x1  }
0xc1: {  	_ =	sfence.sel $0xFFFF  }
0xc2: {  	[dreg:$0x0] =	wrdreg $0xFFFFFFFF;
	(pc) =	sbr.abs _section_cstart, $3  }
0xc3: {  	[dreg:$0x1] =	wrdreg $0xFFFFFFFF  }
0xc4: {  	_ =	task.clear_ibuf [dreg:s9], $0x2FFFF;
	_ =	strace $0x9FFFFFFF  }
0xc5: {  	(tm) =	ssettm $0x7FFFFFFF  }
tec
execute0_lowered:
.L_overlay_start_1:
0x0: {  	(tag) =	ssettag $0x1  }
0x1: {  	s13 =	rddreg [dreg:$0x0]  }
0x2: {  	s1 =	srdreg.scid;
	s2 =	rddreg [dreg:$0x1]  }
0x3: {  	s0 =	stileid.u32;
	s11 =	rddreg [dreg:$0x2]  }
0x4: {  	s3 =	simm.s32 $0x0;
	s17 =	simm.s32 $0x400;
	s18 =	simm.s32 $0x3  }
0x5: {  	s19 =	simm.s32 $0x2;
	s20 =	simm.s32 $0xCC00;
	s21 =	simm.s32 $0x4  }
0x6: {  	s22 =	simm.s32 $0x5;
	s23 =	simm.s32 $0x6;
	s12 =	smul.u32 $0xC800, s0  }
0x7: {  	s24 =	simm.s32 $0x0;
	s10 =	sand.u32 $0x1, s1;
	s15 =	smul.u32 $0xC8000, s0  }
0x8: {  	s28 =	sshll.u32 s0, $0x1;
	s1 =	rddreg [dreg:$0x3];
	s14 =	smul.u32 $0x6400, s10  }
0x9: {  	s5 =	sor.u32 s10, s28;
	s4 =	ssub.s32 $0x2, s10;
	s16 =	smul.u32 $0x64000, s10  }
0xa: {  	[smem:$0x7FF] =	sst s3;
	s6 =	smul.u32 $0x6400, s5;
	s7 =	sshrl.u32 s4, $0x1  }
0xb: {  	_ =	strace $0x80000047;
	s29 =	smul.u32 $0x64000, s5;
	s7 =	ssub.s32 s4, s7  }
0xc: {  	s12 =	sadd.s32 s14, s12;
	s8 =	sshrl.u32 s6, $0x3;
	s9 =	sshll.u32 s6, $0x4  }
0xd: {  	s6 =	smax.u32 s7, $0x1;
	s7 =	sadd.s32 s11, s29;
	s14 =	sadd.s32 $0x7D0, s12  }
0xe: {  	s30 =	sadd.s32 $0x640, s12;
	s4 =	sadd.s32 s13, s8;
	s9 =	sadd.s32 s9, s11  }
.Ltmp0:
0xf: {  	s11 =	sadd.s32 s15, s11;
	s14 =	sshrl.u32 s14, $0x3;
	(pc) =	sbr.rel .LBB2_1-.Ltmp0, $4  }
0x10: {  	s31 =	sshrl.u32 s30, $0x3;
	s15 =	simm.s32 $0x1;
	s5 =	sadd.s32 $0x32, s4  }
0x11: {  	s8 =	sadd.s32 $0x64, s4;
	s9 =	sadd.s32 $0x1900, s9;
	s10 =	sadd.s32 $0x96, s4  }
0x12: {  	s11 =	sadd.s32 s16, s11;
	s12 =	sadd.s32 s14, s13;
	s13 =	sadd.s32 s31, s13  }
0x13: {  	s14 =	simm.s32 $0x200;
	s16 =	simm.s32 $0x190;
	s11 =	sadd.s32 $0x4B00, s11  }
.LBB2_4:
0x14: {  	s24 =	sadd.s32 $0x1, s24  }
0x15: {  	_ =	swait.ge [sflag:s22], $0xC800;
	p0 =	sne.s32 s24, s6  }
.Ltmp1:
0x16: {  	[sflag:s22] =	ssyncset.done $0x0;
	(pc) =	sbr.rel @!p0 .LBB2_5-.Ltmp1, $4  }
0x17: {  	[sflag:s22] =	ssyncadd.s32 $0xFFFF3800  }
0x18: {  	_ =	swait.ge [sflag:s23], $0xC800  }
0x19: {  	[sflag:s23] =	ssyncset.done $0x0  }
0x1a: {  	[sflag:s23] =	ssyncadd.s32 $0xFFFF3800  }
.LBB2_1:
0x1b: {  	[tilespmem:s3], [sflag:$0x1] =	stream.linear.gather [hbm4b:s4+s3], $0x190, $0x38;
	[tilespmem:$0x19400] =	vst v63  }
0x1c: {  	_ = 	snop  }
0x1d: {  	[tilespmem:s14], [sflag:$0x2] =	stream.linear.gather [hbm4b:s5+s3], $0x190, $0x38;
	[tilespmem:$0x19400] =	vst v63  }
0x1e: {  	_ =	swait.ge [sflag:s15], $0x190  }
0x1f: {  	[sflag:s15] =	ssyncset.done $0x0  }
0x20: {  	[sflag:s15] =	ssyncadd.s32 $0xFFFFFE70  }
0x21: {  	[tilespmem:s17], [sflag:$0x3] =	stream.indirect.gather [hbm4b:s2+s16], $0x80, s3, s16, $0xb8;
	[tilespmem:$0x19400] =	vst v63  }
0x22: {  	_ =	swait.ge [sflag:s18], $0xC800  }
0x23: {  	[sflag:s18] =	ssyncset.done $0x0  }
0x24: {  	[sflag:s18] =	ssyncadd.s32 $0xFFFF3800  }
0x25: {  	[hbm4b:s7+s3] =	stream.linear.scatter [tilespmem:s17], [sflag:$0x5], $0xC800, $0x38;
	[tilespmem:$0x19400] =	vst v63  }
0x26: {  	_ = 	snop  }
0x27: {  	[tilespmem:s3], [sflag:$0x1] =	stream.linear.gather [hbm4b:s8+s3], $0x190, $0x38;
	[tilespmem:$0x19400] =	vst v63  }
0x28: {  	_ =	swait.ge [sflag:s19], $0x190  }
0x29: {  	[sflag:s19] =	ssyncset.done $0x0  }
0x2a: {  	[sflag:s19] =	ssyncadd.s32 $0xFFFFFE70  }
0x2b: {  	[tilespmem:s20], [sflag:$0x4] =	stream.indirect.gather [hbm4b:s2+s16], $0x80, s14, s16, $0xb8;
	[tilespmem:$0x19400] =	vst v63  }
0x2c: {  	_ =	swait.ge [sflag:s21], $0xC800  }
0x2d: {  	[sflag:s21] =	ssyncset.done $0x0  }
0x2e: {  	[sflag:s21] =	ssyncadd.s32 $0xFFFF3800  }
0x2f: {  	[hbm4b:s9+s3] =	stream.linear.scatter [tilespmem:s20], [sflag:$0x6], $0xC800, $0x38;
	[tilespmem:$0x19400] =	vst v63  }
0x30: {  	_ = 	snop  }
0x31: {  	[tilespmem:s14], [sflag:$0x2] =	stream.linear.gather [hbm4b:s10+s3], $0x190, $0x38;
	[tilespmem:$0x19400] =	vst v63  }
0x32: {  	_ =	swait.ge [sflag:s15], $0x190  }
0x33: {  	[sflag:s15] =	ssyncset.done $0x0  }
0x34: {  	[sflag:s15] =	ssyncadd.s32 $0xFFFFFE70  }
0x35: {  	_ =	swait.ge [sflag:s22], $0xC800  }
0x36: {  	[sflag:s22] =	ssyncset.done $0x0  }
0x37: {  	s25 =	simm.s32 $0x0;
	s26 =	smov.u32 s11;
	[sflag:s22] =	ssyncadd.s32 $0xFFFF3800  }
0x38: {  	[tilespmem:s17], [sflag:$0x3] =	stream.indirect.gather [hbm4b:s2+s16], $0x80, s3, s16, $0xb8;
	[tilespmem:$0x19400] =	vst v63  }
.LBB2_2:
0x39: {  	_ =	swait.ge [sflag:s18], $0xC800  }
0x3a: {  	[sflag:s18] =	ssyncset.done $0x0  }
0x3b: {  	s28 =	sadd.s32 $0xFFFFE700, s26;
	p0 =	seq.s32 s25, $0xBB8;
	[sflag:s18] =	ssyncadd.s32 $0xFFFF3800  }
0x3c: {  	[hbm4b:s28+s3] =	stream.linear.scatter [tilespmem:s17], [sflag:$0x5], $0xC800, $0x38;
	[tilespmem:$0x19400] =	vst v63  }
0x3d: {  	s29 =	simm.s32 @!p0 $0x0;
	s28 =	sadd.s32 @!p0 s25, s13  }
0x3e: {  	[tilespmem:s29], [sflag:$0x1] =	stream.linear.gather @!p0 [hbm4b:s28+s29], $0x190, $0x38;
	[tilespmem:$0x19400] =	vst v63  }
0x3f: {  	_ =	swait.ge [sflag:s19], $0x190  }
0x40: {  	[sflag:s19] =	ssyncset.done $0x0  }
0x41: {  	[sflag:s19] =	ssyncadd.s32 $0xFFFFFE70  }
0x42: {  	_ =	swait.ge [sflag:s23], $0xC800  }
0x43: {  	[sflag:s23] =	ssyncset.done $0x0  }
0x44: {  	[sflag:s23] =	ssyncadd.s32 $0xFFFF3800  }
0x45: {  	[tilespmem:s20], [sflag:$0x4] =	stream.indirect.gather [hbm4b:s2+s16], $0x80, s14, s16, $0xb8;
	[tilespmem:$0x19400] =	vst v63  }
.Ltmp2:
0x46: {  	_ = 	snop;
	(pc) =	sbr.rel @p0 .LBB2_4-.Ltmp2, $4  }
0x47: {  	_ =	swait.ge [sflag:s21], $0xC800  }
0x48: {  	[sflag:s21] =	ssyncset.done $0x0  }
0x49: {  	[sflag:s21] =	ssyncadd.s32 $0xFFFF3800  }
0x4a: {  	[hbm4b:s26+s3] =	stream.linear.scatter [tilespmem:s20], [sflag:$0x6], $0xC800, $0x38;
	[tilespmem:$0x19400] =	vst v63  }
0x4b: {  	s28 =	sadd.s32 s25, s12  }
0x4c: {  	[tilespmem:s14], [sflag:$0x2] =	stream.linear.gather [hbm4b:s28+s3], $0x190, $0x38;
	[tilespmem:$0x19400] =	vst v63  }
0x4d: {  	_ =	swait.ge [sflag:s15], $0x190  }
0x4e: {  	[sflag:s15] =	ssyncset.done $0x0  }
.Ltmp3:
0x4f: {  	[sflag:s15] =	ssyncadd.s32 $0xFFFFFE70;
	(pc) =	sbr.rel .LBB2_2-.Ltmp3, $4  }
0x50: {  	_ =	swait.ge [sflag:s22], $0xC800  }
0x51: {  	[sflag:s22] =	ssyncset.done $0x0  }
0x52: {  	s26 =	sadd.s32 $0x3200, s26;
	s25 =	sadd.s32 $0x64, s25;
	[sflag:s22] =	ssyncadd.s32 $0xFFFF3800  }
0x53: {  	[tilespmem:s17], [sflag:$0x3] =	stream.indirect.gather [hbm4b:s2+s16], $0x80, s3, s16, $0xb8;
	[tilespmem:$0x19400] =	vst v63  }
.LBB2_5:
0x54: {  	_ =	sfence.sel $0x180000  }
0x55: {  	[bflag:$0x0] =	sbarrier.arrive $0xFFFF  }
0x56: {  	p0 =	sne.s32 s0, $0x0;
	_ =	strace $0x90000047  }
0x57: {  	s0 =	sadd.s32 @!p0 $0x100000, s1;
	[bflag:$0x2] =	sbarrier.arrive $0xFFFF  }
0x58: {  	[sflag:s0] =	ssyncadd.tile.s32 @!p0 $0x1;
	_ =	shalt  }
.Lfunc_end2:
_tile_overlayer_lowered:
.L_overlay_start_2:
0x59: {  	(tag) =	ssettag $0x2  }
0x5a: {  	s0 =	rddreg [dreg:$0x0];
	s2 =	stileid.u32  }
0x5b: {  	s1 =	rddreg [dreg:$0x1];
	p0 =	sne.s32 s2, $0x0  }
0x5c: {  	s3 =	rddreg [dreg:$0x2];
	[bflag:$0x3] =	sbarrier.arrive $0xFFFF;
	s2 =	simm.s32 @!p0 $0x1C07  }
0x5d: {  	[timem:s3], [sflag:s2] =	dma.local @!p0 [hbm:s0], s1  }
0x5e: {  	s0 =	simm.s32 @!p0 $0x7  }
0x5f: {  	_ =	swait.ge @!p0 [sflag:s0], s1  }
0x60: {  	s1 =	ssub.s32 @!p0 $0x0, s1;
	[sflag:s0] =	ssyncset.done @!p0 $0x0  }
0x61: {  	[sflag:s0] =	ssyncadd.s32 @!p0 s1  }
0x62: {  	[bflag:$0x3] =	sbarrier.arrive $0xFFFF  }
0x63: {  	_ =	shalt  }

</sc_bundles>
